<compile_context>
chip_gen: v7x
topology: tpu7x:2x2x1
jax: 0.10.2.dev20260603
libtpu: 0.0.44.dev20260713+nightly
codegen_flags: <defaults>
</compile_context>

<pallas_src>
import functools
import numpy as np
import jax
import jax.numpy as jnp
from jax import lax
from jax.experimental import pallas as pl
from jax.experimental.pallas import tpu as pltpu
from jax.experimental.pallas import tpu_sc as plsc

_W = 4
_R = 8
_NBUF = 4


def _make_sc(Ro, D):
    info = plsc.get_sparse_core_info()
    NC, NS = info.num_cores, info.num_subcores
    NW = NC * NS
    rows_per_w = Ro // NW
    nch = rows_per_w // _R
    mesh = plsc.VectorSubcoreMesh(core_axis_name="c", subcore_axis_name="s")

    @functools.partial(
        pl.kernel,
        mesh=mesh,
        out_type=jax.ShapeDtypeStruct((Ro, D), jnp.float32),
        scratch_types=(
            [pltpu.VMEM((_R, D), jnp.float32) for _ in range(_NBUF)]
            + [pltpu.VMEM((rows_per_w,), jnp.int32)]
            + [pltpu.SemaphoreType.DMA for _ in range(2 * _NBUF)]
        ),
    )
    def k(x_hbm, idx_hbm, out_hbm, *refs):
        bufs = refs[:_NBUF]
        idx_v = refs[_NBUF]
        sin = refs[_NBUF + 1:_NBUF + 1 + _NBUF]
        sout = refs[_NBUF + 1 + _NBUF:]
        wid = lax.axis_index("s") * NC + lax.axis_index("c")
        base = wid * rows_per_w
        pltpu.sync_copy(idx_hbm.at[pl.ds(base, rows_per_w)], idx_v)

        def start_gather(c, b):
            pltpu.async_copy(
                x_hbm.at[idx_v.at[pl.ds(c * _R, _R)]], bufs[b], sin[b]
            )

        def gather_wait(c, b):
            pltpu.make_async_copy(
                x_hbm.at[idx_v.at[pl.ds(c * _R, _R)]], bufs[b], sin[b]
            ).wait()

        def start_scatter(c, b):
            pltpu.async_copy(bufs[b], out_hbm.at[pl.ds(base + c * _R, _R)], sout[b])

        def scatter_wait(c, b):
            pltpu.make_async_copy(
                bufs[b], out_hbm.at[pl.ds(base + c * _R, _R)], sout[b]
            ).wait()

        for b in range(_NBUF):
            start_gather(b, b)

        def lap(g, _):
            for b in range(_NBUF):
                c = g * _NBUF + b
                gather_wait(c, b)
                start_scatter(c, b)

                @pl.when(g < (nch // _NBUF) - 1)
                def _():
                    scatter_wait(c, b)
                    start_gather(c + _NBUF, b)

            return 0

        lax.fori_loop(0, nch // _NBUF, lap, 0)
        for b in range(_NBUF):
            scatter_wait(nch - _NBUF + b, b)

    return k


def kernel(x):
    B, S, D = x.shape
    So = S // _W
    x2 = x.reshape(B * S, D)
    idx = np.arange(0, B * S, _W, dtype=np.int32)
    out = _make_sc(B * So, D)(x2, idx)
    return out.reshape(B, So, D)

# --- scband reference (transcript-rebuilt; emitter-appended) ---
"""Pipeline reference for scband-downsample-25975962206666 (READ-ONLY COPY).

The authoritative reference and input builder live on the scoring server;
editing this copy changes nothing except your own understanding.
"""

import jax, jax.numpy as jnp
import numpy as np

WINDOW_SIZE = 4

def setup_inputs(seed: int = 0) -> dict:
    key = jax.random.key(seed)
    x = jax.random.normal(key, (4, 4096, 2048), dtype=jnp.float32)
    return {"x": x}

def reference(x):
    seq_len = x.shape[1]
    w = int(WINDOW_SIZE)
    idx = jnp.arange(0, seq_len, w)
    return jnp.take(x, idx, axis=1)

if __name__ == "__main__":
    import jax
    _d = setup_inputs()
    print(jax.jit(kernel)(*tuple(_d.values())))

</pallas_src>

<mosaic_0001>
#map = affine_map<(d0, d1) -> (0, 0)>
#map1 = affine_map<(d0, d1) -> (0)>
module attributes {stable_mosaic.version = 14 : i64} {
  func.func @k(%arg0: i32, %arg1: i32, %arg2: memref<16384x2048xf32, #tpu.memory_space<hbm>>, %arg3: memref<4096xi32, #tpu.memory_space<hbm>>, %arg4: memref<4096x2048xf32, #tpu.memory_space<hbm>>, %arg5: memref<8x2048xf32, #tpu.memory_space<vmem>>, %arg6: memref<8x2048xf32, #tpu.memory_space<vmem>>, %arg7: memref<8x2048xf32, #tpu.memory_space<vmem>>, %arg8: memref<8x2048xf32, #tpu.memory_space<vmem>>, %arg9: memref<128xi32, #tpu.memory_space<vmem>>, %arg10: memref<!tpu.dma_semaphore, #tpu.memory_space<semaphore_mem>>, %arg11: memref<!tpu.dma_semaphore, #tpu.memory_space<semaphore_mem>>, %arg12: memref<!tpu.dma_semaphore, #tpu.memory_space<semaphore_mem>>, %arg13: memref<!tpu.dma_semaphore, #tpu.memory_space<semaphore_mem>>, %arg14: memref<!tpu.dma_semaphore, #tpu.memory_space<semaphore_mem>>, %arg15: memref<!tpu.dma_semaphore, #tpu.memory_space<semaphore_mem>>, %arg16: memref<!tpu.dma_semaphore, #tpu.memory_space<semaphore_mem>>, %arg17: memref<!tpu.dma_semaphore, #tpu.memory_space<semaphore_mem>>) attributes {dimension_semantics = [#tpu.dimension_semantics<core_parallel>, #tpu.dimension_semantics<subcore_parallel>], iteration_bounds = array<i64: 2, 16>, scalar_prefetch = 0 : i64, scratch_operands = 13 : i64, tpu.core_type = #tpu.core_type<sc_vector_subcore>, window_params = [{transform_indices = #map}, {transform_indices = #map1}, {transform_indices = #map}]} {
    %mul3A = arith.constant 2 : i32
    %mul3A_0 = arith.muli %arg1, %mul3A : i32
    %add3A = arith.addi %mul3A_0, %arg0 : i32
    %mul3A_1 = arith.constant 128 : i32
    %mul3A_2 = arith.muli %add3A, %mul3A_1 : i32
    "tpu.region"() ({
      %run_scoped3A = tpu.sem_alloc : memref<!tpu.dma_semaphore, #tpu.memory_space<semaphore_mem>>
      %dma_start3A_51 = tpu.memref_slice %arg3[%mul3A_2] : memref<4096xi32, #tpu.memory_space<hbm>> -> memref<128xi32, #tpu.memory_space<hbm>>
      %dma_start3A_52 = tpu.memref_slice %arg3[%mul3A_2] : memref<4096xi32, #tpu.memory_space<hbm>> -> memref<128xi32, #tpu.memory_space<hbm>>
      tpu.enqueue_dma source(%dma_start3A_52 : memref<128xi32, #tpu.memory_space<hbm>>) target(%arg9 : memref<128xi32, #tpu.memory_space<vmem>>) target_semaphore(%run_scoped3A : memref<!tpu.dma_semaphore, #tpu.memory_space<semaphore_mem>>)
      %dma_wait3A_53 = tpu.memref_slice %arg3[%mul3A_2] : memref<4096xi32, #tpu.memory_space<hbm>> -> memref<128xi32, #tpu.memory_space<hbm>>
      %dma_wait3A_54 = tpu.memref_slice %arg3[%mul3A_2] : memref<4096xi32, #tpu.memory_space<hbm>> -> memref<128xi32, #tpu.memory_space<hbm>>
      tpu.wait_dma2 semaphore(%run_scoped3A : memref<!tpu.dma_semaphore, #tpu.memory_space<semaphore_mem>>) src(%dma_wait3A_54 : memref<128xi32, #tpu.memory_space<hbm>>) dst(%arg9 : memref<128xi32, #tpu.memory_space<vmem>>)
      tpu.yield
    }) : () -> ()
    %dma_start3A = arith.constant 0 : i32
    %dma_start3A_3 = tpu.memref_slice %arg9[%dma_start3A] : memref<128xi32, #tpu.memory_space<vmem>> -> memref<8xi32, #tpu.memory_space<vmem>>
    %dma_start3A_4 = arith.constant 0 : i32
    %dma_start3A_5 = arith.constant 0 : i32
    %dma_start3A_6 = tpu.memref_slice %arg2[%dma_start3A_4, %dma_start3A_5] : memref<16384x2048xf32, #tpu.memory_space<hbm>> -> memref<16384x2048xf32, #tpu.memory_space<hbm>>
    tpu.enqueue_indirect_dma source(%dma_start3A_6 : memref<16384x2048xf32, #tpu.memory_space<hbm>>) target(%arg5 : memref<8x2048xf32, #tpu.memory_space<vmem>>) offsets(%dma_start3A_3 : memref<8xi32, #tpu.memory_space<vmem>>) semaphore(%arg10 : memref<!tpu.dma_semaphore, #tpu.memory_space<semaphore_mem>>)
    %dma_start3A_7 = arith.constant 8 : i32
    %dma_start3A_8 = tpu.memref_slice %arg9[%dma_start3A_7] : memref<128xi32, #tpu.memory_space<vmem>> -> memref<8xi32, #tpu.memory_space<vmem>>
    %dma_start3A_9 = arith.constant 0 : i32
    %dma_start3A_10 = arith.constant 0 : i32
    %dma_start3A_11 = tpu.memref_slice %arg2[%dma_start3A_9, %dma_start3A_10] : memref<16384x2048xf32, #tpu.memory_space<hbm>> -> memref<16384x2048xf32, #tpu.memory_space<hbm>>
    tpu.enqueue_indirect_dma source(%dma_start3A_11 : memref<16384x2048xf32, #tpu.memory_space<hbm>>) target(%arg6 : memref<8x2048xf32, #tpu.memory_space<vmem>>) offsets(%dma_start3A_8 : memref<8xi32, #tpu.memory_space<vmem>>) semaphore(%arg11 : memref<!tpu.dma_semaphore, #tpu.memory_space<semaphore_mem>>)
    %dma_start3A_12 = arith.constant 16 : i32
    %dma_start3A_13 = tpu.memref_slice %arg9[%dma_start3A_12] : memref<128xi32, #tpu.memory_space<vmem>> -> memref<8xi32, #tpu.memory_space<vmem>>
    %dma_start3A_14 = arith.constant 0 : i32
    %dma_start3A_15 = arith.constant 0 : i32
    %dma_start3A_16 = tpu.memref_slice %arg2[%dma_start3A_14, %dma_start3A_15] : memref<16384x2048xf32, #tpu.memory_space<hbm>> -> memref<16384x2048xf32, #tpu.memory_space<hbm>>
    tpu.enqueue_indirect_dma source(%dma_start3A_16 : memref<16384x2048xf32, #tpu.memory_space<hbm>>) target(%arg7 : memref<8x2048xf32, #tpu.memory_space<vmem>>) offsets(%dma_start3A_13 : memref<8xi32, #tpu.memory_space<vmem>>) semaphore(%arg12 : memref<!tpu.dma_semaphore, #tpu.memory_space<semaphore_mem>>)
    %dma_start3A_17 = arith.constant 24 : i32
    %dma_start3A_18 = tpu.memref_slice %arg9[%dma_start3A_17] : memref<128xi32, #tpu.memory_space<vmem>> -> memref<8xi32, #tpu.memory_space<vmem>>
    %dma_start3A_19 = arith.constant 0 : i32
    %dma_start3A_20 = arith.constant 0 : i32
    %dma_start3A_21 = tpu.memref_slice %arg2[%dma_start3A_19, %dma_start3A_20] : memref<16384x2048xf32, #tpu.memory_space<hbm>> -> memref<16384x2048xf32, #tpu.memory_space<hbm>>
    tpu.enqueue_indirect_dma source(%dma_start3A_21 : memref<16384x2048xf32, #tpu.memory_space<hbm>>) target(%arg8 : memref<8x2048xf32, #tpu.memory_space<vmem>>) offsets(%dma_start3A_18 : memref<8xi32, #tpu.memory_space<vmem>>) semaphore(%arg13 : memref<!tpu.dma_semaphore, #tpu.memory_space<semaphore_mem>>)
    %scan3A = arith.constant 0 : i32
    %scan3A_22 = arith.constant 0 : i32
    %scan3A_23 = arith.constant 4 : i32
    %scan3A_24 = arith.addi %scan3A_22, %scan3A_23 : i32
    %scan3A_25 = arith.constant 1 : i32
    %scan3A_26 = scf.for %scan3A_51 = %scan3A_22 to %scan3A_24 step %scan3A_25 iter_args(%scan3A_52 = %scan3A) -> (i32)  : i32 {
      %mul3A_53 = arith.constant 4 : i32
      %mul3A_54 = arith.muli %scan3A_51, %mul3A_53 : i32
      %add3A_55 = arith.constant 0 : i32
      %add3A_56 = arith.addi %mul3A_54, %add3A_55 : i32
      %mul3A_57 = arith.constant 8 : i32
      %mul3A_58 = arith.muli %add3A_56, %mul3A_57 : i32
      %dma_wait3A_59 = tpu.memref_slice %arg9[%mul3A_58] : memref<128xi32, #tpu.memory_space<vmem>> -> memref<8xi32, #tpu.memory_space<vmem>>
      %dma_wait3A_60 = arith.constant 0 : i32
      %dma_wait3A_61 = arith.constant 0 : i32
      %dma_wait3A_62 = tpu.memref_slice %arg2[%dma_wait3A_60, %dma_wait3A_61] : memref<16384x2048xf32, #tpu.memory_space<hbm>> -> memref<16384x2048xf32, #tpu.memory_space<hbm>>
      tpu.wait_indirect_dma semaphore(%arg10 : memref<!tpu.dma_semaphore, #tpu.memory_space<semaphore_mem>>) src(%dma_wait3A_62 : memref<16384x2048xf32, #tpu.memory_space<hbm>>) dst(%arg5 : memref<8x2048xf32, #tpu.memory_space<vmem>>)
      %mul3A_63 = arith.constant 8 : i32
      %mul3A_64 = arith.muli %add3A_56, %mul3A_63 : i32
      %add3A_65 = arith.addi %mul3A_2, %mul3A_64 : i32
      %dma_start3A_66 = arith.constant 0 : i32
      %dma_start3A_67 = tpu.memref_slice %arg4[%add3A_65, %dma_start3A_66] : memref<4096x2048xf32, #tpu.memory_space<hbm>> -> memref<8x2048xf32, #tpu.memory_space<hbm>>
      %dma_start3A_68 = arith.constant 0 : i32
      %dma_start3A_69 = tpu.memref_slice %arg4[%add3A_65, %dma_start3A_68] : memref<4096x2048xf32, #tpu.memory_space<hbm>> -> memref<8x2048xf32, #tpu.memory_space<hbm>>
      tpu.enqueue_dma source(%arg5 : memref<8x2048xf32, #tpu.memory_space<vmem>>) target(%dma_start3A_69 : memref<8x2048xf32, #tpu.memory_space<hbm>>) target_semaphore(%arg14 : memref<!tpu.dma_semaphore, #tpu.memory_space<semaphore_mem>>)
      %lt3A = arith.constant 3 : i32
      %lt3A_70 = arith.cmpi slt, %scan3A_51, %lt3A : i32
      %convert_element_type3A = arith.extui %lt3A_70 : i1 to i32
      %cond3A = arith.constant 0 : i32
      %cond3A_71 = arith.cmpi ne, %convert_element_type3A, %cond3A : i32
      scf.if %cond3A_71 {
        %mul3A_139 = arith.constant 8 : i32
        %mul3A_140 = arith.muli %add3A_56, %mul3A_139 : i32
        %add3A_141 = arith.addi %mul3A_2, %mul3A_140 : i32
        %dma_wait3A_142 = arith.constant 0 : i32
        %dma_wait3A_143 = tpu.memref_slice %arg4[%add3A_141, %dma_wait3A_142] : memref<4096x2048xf32, #tpu.memory_space<hbm>> -> memref<8x2048xf32, #tpu.memory_space<hbm>>
        %dma_wait3A_144 = arith.constant 0 : i32
        %dma_wait3A_145 = tpu.memref_slice %arg4[%add3A_141, %dma_wait3A_144] : memref<4096x2048xf32, #tpu.memory_space<hbm>> -> memref<8x2048xf32, #tpu.memory_space<hbm>>
        tpu.wait_dma2 semaphore(%arg14 : memref<!tpu.dma_semaphore, #tpu.memory_space<semaphore_mem>>) src(%arg5 : memref<8x2048xf32, #tpu.memory_space<vmem>>) dst(%dma_wait3A_145 : memref<8x2048xf32, #tpu.memory_space<hbm>>)
        %add3A_146 = arith.constant 4 : i32
        %add3A_147 = arith.addi %add3A_56, %add3A_146 : i32
        %mul3A_148 = arith.constant 8 : i32
        %mul3A_149 = arith.muli %add3A_147, %mul3A_148 : i32
        %dma_start3A_150 = tpu.memref_slice %arg9[%mul3A_149] : memref<128xi32, #tpu.memory_space<vmem>> -> memref<8xi32, #tpu.memory_space<vmem>>
        %dma_start3A_151 = arith.constant 0 : i32
        %dma_start3A_152 = arith.constant 0 : i32
        %dma_start3A_153 = tpu.memref_slice %arg2[%dma_start3A_151, %dma_start3A_152] : memref<16384x2048xf32, #tpu.memory_space<hbm>> -> memref<16384x2048xf32, #tpu.memory_space<hbm>>
        tpu.enqueue_indirect_dma source(%dma_start3A_153 : memref<16384x2048xf32, #tpu.memory_space<hbm>>) target(%arg5 : memref<8x2048xf32, #tpu.memory_space<vmem>>) offsets(%dma_start3A_150 : memref<8xi32, #tpu.memory_space<vmem>>) semaphore(%arg10 : memref<!tpu.dma_semaphore, #tpu.memory_space<semaphore_mem>>)
      } else {
      }
      %mul3A_72 = arith.constant 4 : i32
      %mul3A_73 = arith.muli %scan3A_51, %mul3A_72 : i32
      %add3A_74 = arith.constant 1 : i32
      %add3A_75 = arith.addi %mul3A_73, %add3A_74 : i32
      %mul3A_76 = arith.constant 8 : i32
      %mul3A_77 = arith.muli %add3A_75, %mul3A_76 : i32
      %dma_wait3A_78 = tpu.memref_slice %arg9[%mul3A_77] : memref<128xi32, #tpu.memory_space<vmem>> -> memref<8xi32, #tpu.memory_space<vmem>>
      %dma_wait3A_79 = arith.constant 0 : i32
      %dma_wait3A_80 = arith.constant 0 : i32
      %dma_wait3A_81 = tpu.memref_slice %arg2[%dma_wait3A_79, %dma_wait3A_80] : memref<16384x2048xf32, #tpu.memory_space<hbm>> -> memref<16384x2048xf32, #tpu.memory_space<hbm>>
      tpu.wait_indirect_dma semaphore(%arg11 : memref<!tpu.dma_semaphore, #tpu.memory_space<semaphore_mem>>) src(%dma_wait3A_81 : memref<16384x2048xf32, #tpu.memory_space<hbm>>) dst(%arg6 : memref<8x2048xf32, #tpu.memory_space<vmem>>)
      %mul3A_82 = arith.constant 8 : i32
      %mul3A_83 = arith.muli %add3A_75, %mul3A_82 : i32
      %add3A_84 = arith.addi %mul3A_2, %mul3A_83 : i32
      %dma_start3A_85 = arith.constant 0 : i32
      %dma_start3A_86 = tpu.memref_slice %arg4[%add3A_84, %dma_start3A_85] : memref<4096x2048xf32, #tpu.memory_space<hbm>> -> memref<8x2048xf32, #tpu.memory_space<hbm>>
      %dma_start3A_87 = arith.constant 0 : i32
      %dma_start3A_88 = tpu.memref_slice %arg4[%add3A_84, %dma_start3A_87] : memref<4096x2048xf32, #tpu.memory_space<hbm>> -> memref<8x2048xf32, #tpu.memory_space<hbm>>
      tpu.enqueue_dma source(%arg6 : memref<8x2048xf32, #tpu.memory_space<vmem>>) target(%dma_start3A_88 : memref<8x2048xf32, #tpu.memory_space<hbm>>) target_semaphore(%arg15 : memref<!tpu.dma_semaphore, #tpu.memory_space<semaphore_mem>>)
      %lt3A_89 = arith.constant 3 : i32
      %lt3A_90 = arith.cmpi slt, %scan3A_51, %lt3A_89 : i32
      %convert_element_type3A_91 = arith.extui %lt3A_90 : i1 to i32
      %cond3A_92 = arith.constant 0 : i32
      %cond3A_93 = arith.cmpi ne, %convert_element_type3A_91, %cond3A_92 : i32
      scf.if %cond3A_93 {
        %mul3A_139 = arith.constant 8 : i32
        %mul3A_140 = arith.muli %add3A_75, %mul3A_139 : i32
        %add3A_141 = arith.addi %mul3A_2, %mul3A_140 : i32
        %dma_wait3A_142 = arith.constant 0 : i32
        %dma_wait3A_143 = tpu.memref_slice %arg4[%add3A_141, %dma_wait3A_142] : memref<4096x2048xf32, #tpu.memory_space<hbm>> -> memref<8x2048xf32, #tpu.memory_space<hbm>>
        %dma_wait3A_144 = arith.constant 0 : i32
        %dma_wait3A_145 = tpu.memref_slice %arg4[%add3A_141, %dma_wait3A_144] : memref<4096x2048xf32, #tpu.memory_space<hbm>> -> memref<8x2048xf32, #tpu.memory_space<hbm>>
        tpu.wait_dma2 semaphore(%arg15 : memref<!tpu.dma_semaphore, #tpu.memory_space<semaphore_mem>>) src(%arg6 : memref<8x2048xf32, #tpu.memory_space<vmem>>) dst(%dma_wait3A_145 : memref<8x2048xf32, #tpu.memory_space<hbm>>)
        %add3A_146 = arith.constant 4 : i32
        %add3A_147 = arith.addi %add3A_75, %add3A_146 : i32
        %mul3A_148 = arith.constant 8 : i32
        %mul3A_149 = arith.muli %add3A_147, %mul3A_148 : i32
        %dma_start3A_150 = tpu.memref_slice %arg9[%mul3A_149] : memref<128xi32, #tpu.memory_space<vmem>> -> memref<8xi32, #tpu.memory_space<vmem>>
        %dma_start3A_151 = arith.constant 0 : i32
        %dma_start3A_152 = arith.constant 0 : i32
        %dma_start3A_153 = tpu.memref_slice %arg2[%dma_start3A_151, %dma_start3A_152] : memref<16384x2048xf32, #tpu.memory_space<hbm>> -> memref<16384x2048xf32, #tpu.memory_space<hbm>>
        tpu.enqueue_indirect_dma source(%dma_start3A_153 : memref<16384x2048xf32, #tpu.memory_space<hbm>>) target(%arg6 : memref<8x2048xf32, #tpu.memory_space<vmem>>) offsets(%dma_start3A_150 : memref<8xi32, #tpu.memory_space<vmem>>) semaphore(%arg11 : memref<!tpu.dma_semaphore, #tpu.memory_space<semaphore_mem>>)
      } else {
      }
      %mul3A_94 = arith.constant 4 : i32
      %mul3A_95 = arith.muli %scan3A_51, %mul3A_94 : i32
      %add3A_96 = arith.constant 2 : i32
      %add3A_97 = arith.addi %mul3A_95, %add3A_96 : i32
      %mul3A_98 = arith.constant 8 : i32
      %mul3A_99 = arith.muli %add3A_97, %mul3A_98 : i32
      %dma_wait3A_100 = tpu.memref_slice %arg9[%mul3A_99] : memref<128xi32, #tpu.memory_space<vmem>> -> memref<8xi32, #tpu.memory_space<vmem>>
      %dma_wait3A_101 = arith.constant 0 : i32
      %dma_wait3A_102 = arith.constant 0 : i32
      %dma_wait3A_103 = tpu.memref_slice %arg2[%dma_wait3A_101, %dma_wait3A_102] : memref<16384x2048xf32, #tpu.memory_space<hbm>> -> memref<16384x2048xf32, #tpu.memory_space<hbm>>
      tpu.wait_indirect_dma semaphore(%arg12 : memref<!tpu.dma_semaphore, #tpu.memory_space<semaphore_mem>>) src(%dma_wait3A_103 : memref<16384x2048xf32, #tpu.memory_space<hbm>>) dst(%arg7 : memref<8x2048xf32, #tpu.memory_space<vmem>>)
      %mul3A_104 = arith.constant 8 : i32
      %mul3A_105 = arith.muli %add3A_97, %mul3A_104 : i32
      %add3A_106 = arith.addi %mul3A_2, %mul3A_105 : i32
      %dma_start3A_107 = arith.constant 0 : i32
      %dma_start3A_108 = tpu.memref_slice %arg4[%add3A_106, %dma_start3A_107] : memref<4096x2048xf32, #tpu.memory_space<hbm>> -> memref<8x2048xf32, #tpu.memory_space<hbm>>
      %dma_start3A_109 = arith.constant 0 : i32
      %dma_start3A_110 = tpu.memref_slice %arg4[%add3A_106, %dma_start3A_109] : memref<4096x2048xf32, #tpu.memory_space<hbm>> -> memref<8x2048xf32, #tpu.memory_space<hbm>>
      tpu.enqueue_dma source(%arg7 : memref<8x2048xf32, #tpu.memory_space<vmem>>) target(%dma_start3A_110 : memref<8x2048xf32, #tpu.memory_space<hbm>>) target_semaphore(%arg16 : memref<!tpu.dma_semaphore, #tpu.memory_space<semaphore_mem>>)
      %lt3A_111 = arith.constant 3 : i32
      %lt3A_112 = arith.cmpi slt, %scan3A_51, %lt3A_111 : i32
      %convert_element_type3A_113 = arith.extui %lt3A_112 : i1 to i32
      %cond3A_114 = arith.constant 0 : i32
      %cond3A_115 = arith.cmpi ne, %convert_element_type3A_113, %cond3A_114 : i32
      scf.if %cond3A_115 {
        %mul3A_139 = arith.constant 8 : i32
        %mul3A_140 = arith.muli %add3A_97, %mul3A_139 : i32
        %add3A_141 = arith.addi %mul3A_2, %mul3A_140 : i32
        %dma_wait3A_142 = arith.constant 0 : i32
        %dma_wait3A_143 = tpu.memref_slice %arg4[%add3A_141, %dma_wait3A_142] : memref<4096x2048xf32, #tpu.memory_space<hbm>> -> memref<8x2048xf32, #tpu.memory_space<hbm>>
        %dma_wait3A_144 = arith.constant 0 : i32
        %dma_wait3A_145 = tpu.memref_slice %arg4[%add3A_141, %dma_wait3A_144] : memref<4096x2048xf32, #tpu.memory_space<hbm>> -> memref<8x2048xf32, #tpu.memory_space<hbm>>
        tpu.wait_dma2 semaphore(%arg16 : memref<!tpu.dma_semaphore, #tpu.memory_space<semaphore_mem>>) src(%arg7 : memref<8x2048xf32, #tpu.memory_space<vmem>>) dst(%dma_wait3A_145 : memref<8x2048xf32, #tpu.memory_space<hbm>>)
        %add3A_146 = arith.constant 4 : i32
        %add3A_147 = arith.addi %add3A_97, %add3A_146 : i32
        %mul3A_148 = arith.constant 8 : i32
        %mul3A_149 = arith.muli %add3A_147, %mul3A_148 : i32
        %dma_start3A_150 = tpu.memref_slice %arg9[%mul3A_149] : memref<128xi32, #tpu.memory_space<vmem>> -> memref<8xi32, #tpu.memory_space<vmem>>
        %dma_start3A_151 = arith.constant 0 : i32
        %dma_start3A_152 = arith.constant 0 : i32
        %dma_start3A_153 = tpu.memref_slice %arg2[%dma_start3A_151, %dma_start3A_152] : memref<16384x2048xf32, #tpu.memory_space<hbm>> -> memref<16384x2048xf32, #tpu.memory_space<hbm>>
        tpu.enqueue_indirect_dma source(%dma_start3A_153 : memref<16384x2048xf32, #tpu.memory_space<hbm>>) target(%arg7 : memref<8x2048xf32, #tpu.memory_space<vmem>>) offsets(%dma_start3A_150 : memref<8xi32, #tpu.memory_space<vmem>>) semaphore(%arg12 : memref<!tpu.dma_semaphore, #tpu.memory_space<semaphore_mem>>)
      } else {
      }
      %mul3A_116 = arith.constant 4 : i32
      %mul3A_117 = arith.muli %scan3A_51, %mul3A_116 : i32
      %add3A_118 = arith.constant 3 : i32
      %add3A_119 = arith.addi %mul3A_117, %add3A_118 : i32
      %mul3A_120 = arith.constant 8 : i32
      %mul3A_121 = arith.muli %add3A_119, %mul3A_120 : i32
      %dma_wait3A_122 = tpu.memref_slice %arg9[%mul3A_121] : memref<128xi32, #tpu.memory_space<vmem>> -> memref<8xi32, #tpu.memory_space<vmem>>
      %dma_wait3A_123 = arith.constant 0 : i32
      %dma_wait3A_124 = arith.constant 0 : i32
      %dma_wait3A_125 = tpu.memref_slice %arg2[%dma_wait3A_123, %dma_wait3A_124] : memref<16384x2048xf32, #tpu.memory_space<hbm>> -> memref<16384x2048xf32, #tpu.memory_space<hbm>>
      tpu.wait_indirect_dma semaphore(%arg13 : memref<!tpu.dma_semaphore, #tpu.memory_space<semaphore_mem>>) src(%dma_wait3A_125 : memref<16384x2048xf32, #tpu.memory_space<hbm>>) dst(%arg8 : memref<8x2048xf32, #tpu.memory_space<vmem>>)
      %mul3A_126 = arith.constant 8 : i32
      %mul3A_127 = arith.muli %add3A_119, %mul3A_126 : i32
      %add3A_128 = arith.addi %mul3A_2, %mul3A_127 : i32
      %dma_start3A_129 = arith.constant 0 : i32
      %dma_start3A_130 = tpu.memref_slice %arg4[%add3A_128, %dma_start3A_129] : memref<4096x2048xf32, #tpu.memory_space<hbm>> -> memref<8x2048xf32, #tpu.memory_space<hbm>>
      %dma_start3A_131 = arith.constant 0 : i32
      %dma_start3A_132 = tpu.memref_slice %arg4[%add3A_128, %dma_start3A_131] : memref<4096x2048xf32, #tpu.memory_space<hbm>> -> memref<8x2048xf32, #tpu.memory_space<hbm>>
      tpu.enqueue_dma source(%arg8 : memref<8x2048xf32, #tpu.memory_space<vmem>>) target(%dma_start3A_132 : memref<8x2048xf32, #tpu.memory_space<hbm>>) target_semaphore(%arg17 : memref<!tpu.dma_semaphore, #tpu.memory_space<semaphore_mem>>)
      %lt3A_133 = arith.constant 3 : i32
      %lt3A_134 = arith.cmpi slt, %scan3A_51, %lt3A_133 : i32
      %convert_element_type3A_135 = arith.extui %lt3A_134 : i1 to i32
      %cond3A_136 = arith.constant 0 : i32
      %cond3A_137 = arith.cmpi ne, %convert_element_type3A_135, %cond3A_136 : i32
      scf.if %cond3A_137 {
        %mul3A_139 = arith.constant 8 : i32
        %mul3A_140 = arith.muli %add3A_119, %mul3A_139 : i32
        %add3A_141 = arith.addi %mul3A_2, %mul3A_140 : i32
        %dma_wait3A_142 = arith.constant 0 : i32
        %dma_wait3A_143 = tpu.memref_slice %arg4[%add3A_141, %dma_wait3A_142] : memref<4096x2048xf32, #tpu.memory_space<hbm>> -> memref<8x2048xf32, #tpu.memory_space<hbm>>
        %dma_wait3A_144 = arith.constant 0 : i32
        %dma_wait3A_145 = tpu.memref_slice %arg4[%add3A_141, %dma_wait3A_144] : memref<4096x2048xf32, #tpu.memory_space<hbm>> -> memref<8x2048xf32, #tpu.memory_space<hbm>>
        tpu.wait_dma2 semaphore(%arg17 : memref<!tpu.dma_semaphore, #tpu.memory_space<semaphore_mem>>) src(%arg8 : memref<8x2048xf32, #tpu.memory_space<vmem>>) dst(%dma_wait3A_145 : memref<8x2048xf32, #tpu.memory_space<hbm>>)
        %add3A_146 = arith.constant 4 : i32
        %add3A_147 = arith.addi %add3A_119, %add3A_146 : i32
        %mul3A_148 = arith.constant 8 : i32
        %mul3A_149 = arith.muli %add3A_147, %mul3A_148 : i32
        %dma_start3A_150 = tpu.memref_slice %arg9[%mul3A_149] : memref<128xi32, #tpu.memory_space<vmem>> -> memref<8xi32, #tpu.memory_space<vmem>>
        %dma_start3A_151 = arith.constant 0 : i32
        %dma_start3A_152 = arith.constant 0 : i32
        %dma_start3A_153 = tpu.memref_slice %arg2[%dma_start3A_151, %dma_start3A_152] : memref<16384x2048xf32, #tpu.memory_space<hbm>> -> memref<16384x2048xf32, #tpu.memory_space<hbm>>
        tpu.enqueue_indirect_dma source(%dma_start3A_153 : memref<16384x2048xf32, #tpu.memory_space<hbm>>) target(%arg8 : memref<8x2048xf32, #tpu.memory_space<vmem>>) offsets(%dma_start3A_150 : memref<8xi32, #tpu.memory_space<vmem>>) semaphore(%arg13 : memref<!tpu.dma_semaphore, #tpu.memory_space<semaphore_mem>>)
      } else {
      }
      %scan3A_138 = arith.constant 0 : i32
      scf.yield %scan3A_138 : i32
    }
    %scan3A_27 = arith.constant 4 : i32
    %add3A_28 = arith.constant 96 : i32
    %add3A_29 = arith.addi %mul3A_2, %add3A_28 : i32
    %dma_wait3A = arith.constant 0 : i32
    %dma_wait3A_30 = tpu.memref_slice %arg4[%add3A_29, %dma_wait3A] : memref<4096x2048xf32, #tpu.memory_space<hbm>> -> memref<8x2048xf32, #tpu.memory_space<hbm>>
    %dma_wait3A_31 = arith.constant 0 : i32
    %dma_wait3A_32 = tpu.memref_slice %arg4[%add3A_29, %dma_wait3A_31] : memref<4096x2048xf32, #tpu.memory_space<hbm>> -> memref<8x2048xf32, #tpu.memory_space<hbm>>
    tpu.wait_dma2 semaphore(%arg14 : memref<!tpu.dma_semaphore, #tpu.memory_space<semaphore_mem>>) src(%arg5 : memref<8x2048xf32, #tpu.memory_space<vmem>>) dst(%dma_wait3A_32 : memref<8x2048xf32, #tpu.memory_space<hbm>>)
    %add3A_33 = arith.constant 104 : i32
    %add3A_34 = arith.addi %mul3A_2, %add3A_33 : i32
    %dma_wait3A_35 = arith.constant 0 : i32
    %dma_wait3A_36 = tpu.memref_slice %arg4[%add3A_34, %dma_wait3A_35] : memref<4096x2048xf32, #tpu.memory_space<hbm>> -> memref<8x2048xf32, #tpu.memory_space<hbm>>
    %dma_wait3A_37 = arith.constant 0 : i32
    %dma_wait3A_38 = tpu.memref_slice %arg4[%add3A_34, %dma_wait3A_37] : memref<4096x2048xf32, #tpu.memory_space<hbm>> -> memref<8x2048xf32, #tpu.memory_space<hbm>>
    tpu.wait_dma2 semaphore(%arg15 : memref<!tpu.dma_semaphore, #tpu.memory_space<semaphore_mem>>) src(%arg6 : memref<8x2048xf32, #tpu.memory_space<vmem>>) dst(%dma_wait3A_38 : memref<8x2048xf32, #tpu.memory_space<hbm>>)
    %add3A_39 = arith.constant 112 : i32
    %add3A_40 = arith.addi %mul3A_2, %add3A_39 : i32
    %dma_wait3A_41 = arith.constant 0 : i32
    %dma_wait3A_42 = tpu.memref_slice %arg4[%add3A_40, %dma_wait3A_41] : memref<4096x2048xf32, #tpu.memory_space<hbm>> -> memref<8x2048xf32, #tpu.memory_space<hbm>>
    %dma_wait3A_43 = arith.constant 0 : i32
    %dma_wait3A_44 = tpu.memref_slice %arg4[%add3A_40, %dma_wait3A_43] : memref<4096x2048xf32, #tpu.memory_space<hbm>> -> memref<8x2048xf32, #tpu.memory_space<hbm>>
    tpu.wait_dma2 semaphore(%arg16 : memref<!tpu.dma_semaphore, #tpu.memory_space<semaphore_mem>>) src(%arg7 : memref<8x2048xf32, #tpu.memory_space<vmem>>) dst(%dma_wait3A_44 : memref<8x2048xf32, #tpu.memory_space<hbm>>)
    %add3A_45 = arith.constant 120 : i32
    %add3A_46 = arith.addi %mul3A_2, %add3A_45 : i32
    %dma_wait3A_47 = arith.constant 0 : i32
    %dma_wait3A_48 = tpu.memref_slice %arg4[%add3A_46, %dma_wait3A_47] : memref<4096x2048xf32, #tpu.memory_space<hbm>> -> memref<8x2048xf32, #tpu.memory_space<hbm>>
    %dma_wait3A_49 = arith.constant 0 : i32
    %dma_wait3A_50 = tpu.memref_slice %arg4[%add3A_46, %dma_wait3A_49] : memref<4096x2048xf32, #tpu.memory_space<hbm>> -> memref<8x2048xf32, #tpu.memory_space<hbm>>
    tpu.wait_dma2 semaphore(%arg17 : memref<!tpu.dma_semaphore, #tpu.memory_space<semaphore_mem>>) src(%arg8 : memref<8x2048xf32, #tpu.memory_space<vmem>>) dst(%dma_wait3A_50 : memref<8x2048xf32, #tpu.memory_space<hbm>>)
    return
  }
}

</mosaic_0001>

<sc_bundles>
// kernel: kernel.3.cloned.1.call-start
scs
__scs_entry_jumppad:
0x0: {  	(pc) =	sbr.rel $0x88, $3  }
0x1: {  	(tag) =	ssettag $0x0;
	lr =	simm.s32 $0x1  }
0x2: {  	[smem:$0x3FA0] =	sst lr;
	_ =	strace $0xD0000000  }
0x3: {  	_ = 	snop  }
0x4: {  	_ = 	snop  }
0x5: {  	_ = 	snop  }
0x6: {  	_ = 	snop  }
0x7: {  	_ = 	snop  }
__scs_overlays_trampoline_lowered:
0x8: {  	[smem:$0x3FAF] =	sst s0  }
0x9: {  	[smem:$0x3FB0] =	sst s1  }
0xa: {  	[smem:$0x3FB1] =	sst s2  }
0xb: {  	[smem:$0x3FB2] =	sst s3  }
0xc: {  	[smem:$0x3FB3] =	sst s4  }
0xd: {  	[smem:$0x3FB4] =	sst s5  }
0xe: {  	[smem:$0x3FB5] =	sst s6  }
0xf: {  	[smem:$0x3FB6] =	sst s7  }
0x10: {  	[smem:$0x3FB7] =	sst s8  }
0x11: {  	[smem:$0x3FB8] =	sst s9;
	s0 =	simm.s32 @!p0 $0x0  }
0x12: {  	s1 =	sld [smem:$0x3F9E];
	s0 =	simm.s32 @p0 $0x1  }
0x13: {  	[smem:$0x3FB9] =	sst s0;
	s0 =	simm.s32 @!p1 $0x0  }
0x14: {  	s2 =	sld [smem:$0x3F9D];
	s0 =	simm.s32 @p1 $0x1  }
0x15: {  	[smem:$0x3FBA] =	sst s0;
	s0 =	simm.s32 @!p2 $0x0  }
0x16: {  	s3 =	sld [smem:$0x3FDB];
	s0 =	simm.s32 @p2 $0x1  }
0x17: {  	s4 =	simm.s32 $0x1BF5;
	[smem:$0x3FBC] =	sst s0  }
0x18: {  	s0 =	sld [smem:$0x3F9F];
	_ =	swait.ge [sflag:s4], $0x0  }
0x19: {  	s7 =	sld [smem:$0x3FA0]  }
0x1a: {  	s8 =	sadd.s32 $0xFFFFE003, lr  }
0x1b: {  	s9 =	sadd.s32 $0xFFFFFEF7, lr;
	s5 =	simm.s32 $0xFFFFFFFF;
	p2 =	slt.u32 s8, $0xFFFFF086  }
0x1c: {  	p1 =	slt.u32 s9, $0xF7A;
	s5 =	simm.s32 @!p2 $0x0  }
0x1d: {  	s5 =	simm.s32 @p1 $0x1;
	p0 =	seq.s32 s7, s2  }
0x1e: {  	s7 =	smul.u32 @!p0 $0xF7A, s2;
	p2 =	seq.s32 @!p0 s5, $0x0  }
0x1f: {  	s9 =	smul.u32 $0xF7A, s1;
	s8 =	simm.s32 @!p0 $0x1BF5;
	p2 =	por !p2, p0  }
0x20: {  	[sflag:s8] =	ssyncset.s32 @!p0 $0xFFFFF086;
	s6 =	sadd.s32 @!p0 s3, s7;
	s7 =	simm.s32 @!p0 $0x108  }
0x21: {  	s3 =	sadd.s32 s3, s9;
	s6 =	sadd.s32 @!p0 $0x88, s6;
	s7 =	simm.s32 @p2 $0x1082  }
0x22: {  	[simem:s7], [sflag:s8] =	dma.local @!p0 [hbm:s6], $0xF7A  }
0x23: {  	s9 =	sor.u32 $0xD0000000, s2;
	s6 =	simm.s32 $0x108;
	_ =	swait.ge @!p0 [sflag:s8], $0x0  }
0x24: {  	s3 =	sadd.s32 $0x88, s3;
	s6 =	simm.s32 @!p1 $0x1082;
	[sflag:s4] =	ssyncset.s32 $0xFFFFF086  }
0x25: {  	[simem:s6], [sflag:s4] =	dma.local [hbm:s3], $0xF7A  }
0x26: {  	[smem:$0x3FA0] =	sst s1;
	(tag) =	ssettag s2;
	_ =	strace s9  }
0x27: {  	s1 =	sld [smem:$0x3FB0]  }
0x28: {  	s2 =	sld [smem:$0x3FB1]  }
0x29: {  	s4 =	sld [smem:$0x3FB3]  }
0x2a: {  	p0 =	seq.s32 s5, $0x0;
	s5 =	sld [smem:$0x3FB4]  }
0x2b: {  	s6 =	sld [smem:$0x3FB5]  }
0x2c: {  	s7 =	sld [smem:$0x3FB6]  }
0x2d: {  	s3 =	simm.s32 $0x108;
	s8 =	sld [smem:$0x3FB7]  }
0x2e: {  	s3 =	simm.s32 @!p0 $0x1082;
	s9 =	sld [smem:$0x3FB8]  }
0x2f: {  	lr =	sadd.s32 s0, s3;
	s0 =	sld [smem:$0x3FAF]  }
0x30: {  	s3 =	sld [smem:$0x3FB2]  }
0x31: {  	[smem:$0x3FBB] =	sst s10  }
0x32: {  	s10 =	sld [smem:$0x3FB9];
	_ =	sdelay $0x3  }
0x33: {  	p0 =	seq.s32 s10, $0x1;
	s10 =	sld [smem:$0x3FBB];
	_ =	sdelay $0x3  }
0x34: {  	[smem:$0x3FBB] =	sst s10  }
0x35: {  	s10 =	sld [smem:$0x3FBA];
	_ =	sdelay $0x3  }
0x36: {  	p1 =	seq.s32 s10, $0x1;
	s10 =	sld [smem:$0x3FBB];
	_ =	sdelay $0x3  }
0x37: {  	[smem:$0x3FBB] =	sst s10  }
0x38: {  	s10 =	sld [smem:$0x3FBC]  }
0x39: {  	_ = 	snop;
	(pc) =	sbr.ind lr, $3  }
0x3a: {  	_ = 	snop  }
0x3b: {  	_ = 	snop  }
0x3c: {  	p2 =	seq.s32 s10, $0x1;
	s10 =	sld [smem:$0x3FBB]  }
0x3d: {  	_ =	shalt  }
0x3e: {  	_ =	shalt  }
0x3f: {  	_ =	shalt  }
0x40: {  	_ =	shalt  }
0x41: {  	_ =	shalt  }
0x42: {  	_ =	shalt  }
0x43: {  	_ =	shalt  }
0x44: {  	_ =	shalt  }
0x45: {  	_ =	shalt  }
0x46: {  	_ =	shalt  }
0x47: {  	_ =	shalt  }
0x48: {  	_ =	shalt  }
0x49: {  	_ =	shalt  }
0x4a: {  	_ =	shalt  }
0x4b: {  	_ =	shalt  }
0x4c: {  	_ =	shalt  }
0x4d: {  	_ =	shalt  }
0x4e: {  	_ =	shalt  }
0x4f: {  	_ =	shalt  }
0x50: {  	_ =	shalt  }
0x51: {  	_ =	shalt  }
0x52: {  	_ =	shalt  }
0x53: {  	_ =	shalt  }
0x54: {  	_ =	shalt  }
0x55: {  	_ =	shalt  }
0x56: {  	_ =	shalt  }
0x57: {  	_ =	shalt  }
0x58: {  	_ =	shalt  }
0x59: {  	_ =	shalt  }
0x5a: {  	_ =	shalt  }
0x5b: {  	_ =	shalt  }
0x5c: {  	_ =	shalt  }
0x5d: {  	_ =	shalt  }
0x5e: {  	_ =	shalt  }
0x5f: {  	_ =	shalt  }
0x60: {  	_ =	shalt  }
0x61: {  	_ =	shalt  }
0x62: {  	_ =	shalt  }
0x63: {  	_ =	shalt  }
0x64: {  	_ =	shalt  }
0x65: {  	_ =	shalt  }
0x66: {  	_ =	shalt  }
0x67: {  	_ =	shalt  }
0x68: {  	_ =	shalt  }
0x69: {  	_ =	shalt  }
0x6a: {  	_ =	shalt  }
0x6b: {  	_ =	shalt  }
0x6c: {  	_ =	shalt  }
0x6d: {  	_ =	shalt  }
0x6e: {  	_ =	shalt  }
0x6f: {  	_ =	shalt  }
0x70: {  	_ =	shalt  }
0x71: {  	_ =	shalt  }
0x72: {  	_ =	shalt  }
0x73: {  	_ =	shalt  }
0x74: {  	_ =	shalt  }
0x75: {  	_ =	shalt  }
0x76: {  	_ =	shalt  }
0x77: {  	_ =	shalt  }
0x78: {  	_ =	shalt  }
0x79: {  	_ =	shalt  }
0x7a: {  	_ =	shalt  }
0x7b: {  	_ =	shalt  }
0x7c: {  	_ =	shalt  }
0x7d: {  	_ =	shalt  }
0x7e: {  	_ =	shalt  }
0x7f: {  	_ =	shalt  }
0x80: {  	_ =	shalt  }
0x81: {  	_ =	shalt  }
0x82: {  	_ =	shalt  }
0x83: {  	_ =	shalt  }
0x84: {  	_ =	shalt  }
0x85: {  	_ =	shalt  }
0x86: {  	_ =	shalt  }
0x87: {  	_ =	shalt  }
.Lfunc_end0:
.L_simem_size_0:
called_computation_lowered:
.L_overlay_start_0:
0x88: {  	s2 =	sld [smem:$0x3FD9]  }
0x89: {  	s3 =	sld [smem:$0x3FFE];
	_ =	sdelay $0x1  }
0x8a: {  	s1 =	srdreg.scid  }
0x8b: {  	s0 =	sand.u32 $0x1, s1  }
0x8c: {  	s17 =	sshll.u32 s0, $0xA;
	s2 =	sadd.s32 s3, s2  }
0x8d: {  	s2 =	sadd.s32 s2, s17  }
0x8e: {  	[smem:$0x3FC7] =	sst s2  }
0x8f: {  	_ = 	snop  }
0x90: {  	s2 =	sld [smem:$0x3FC9]  }
0x91: {  	s18 =	sld [smem:$0x3FD0];
	(tm) =	ssettm $0x1  }
0x92: {  	s4 =	sld [smem:$0x3FFB];
	_ =	sdelay $0x3  }
0x93: {  	_ =	strace s4  }
0x94: {  	s4 =	sld [smem:$0x3FFC];
	_ =	sdelay $0x3  }
0x95: {  	_ =	strace s4  }
0x96: {  	s4 =	sld [smem:$0x3FFD];
	_ =	sdelay $0x3  }
0x97: {  	_ =	strace s4  }
0x98: {  	_ =	strace $0x8FFFFFFF  }
0x99: {  	s19 =	sld [smem:$0x3FDB];
	_ =	sdelay $0x1  }
0x9a: {  	s5 =	simm.s32 $_scs_section_size  }
0x9b: {  	s6 =	simm.s32 $_size__tile_overlayer_lowered;
	s7 =	simm.s32 $_tile_overlayer_lowered  }
0x9c: {  	s22 =	simm.s32 $0x1BFF;
	s21 =	sshll.u32 s7, $0x1;
	s4 =	sadd.s32 s5, s19  }
0x9d: {  	s8 =	simm.s32 $0x0;
	s20 =	sshll.u32 s6, $0x1;
	s6 =	sadd.s32 s21, s4  }
0x9e: {  	[timem:s8], [sflag:s22] =	dma.local [hbm:s6], s20  }
0x9f: {  	_ =	swait.ge [sflag:s22], s20  }
0xa0: {  	s5 =	ssub.s32 $0x0, s20;
	[sflag:s22] =	ssyncset.done $0x0  }
0xa1: {  	[sflag:s22] =	ssyncadd.s32 s5;
	_ =	sdelay $0x1  }
0xa2: {  	s23 =	simm.s32 $0x1B8B  }
0xa3: {  	_ =	swait.ge [sflag:s23], $0x1  }
0xa4: {  	[sflag:s23] =	ssyncset.done $0x0  }
0xa5: {  	s25 =	simm.s32 $0x1B8E;
	s24 =	sld [smem:$0x3FFE];
	[sflag:s23] =	ssyncadd.s32 $0xFFFFFFFF  }
0xa6: {  	s26 =	simm.s32 $execute0_lowered;
	[smem:$0x3FD2] =	sst s25  }
0xa7: {  	s6 =	sshll.u32 s26, $0x1;
	_ =	strace $0x80000046;
	[dreg:$0x1] =	wrdreg $0xFFFFFFFF  }
0xa8: {  	s28 =	simm.s32 $_size_execute0_lowered;
	s4 =	sadd.s32 s4, s6;
	[dreg:$0x0] =	wrdreg $0x0  }
0xa9: {  	s6 =	sshll.u32 s28, $0x1;
	[dreg:$0x2] =	wrdreg s4  }
0xaa: {  	[dreg:$0x3] =	wrdreg s6  }
0xab: {  	[dreg:$0x4] =	wrdreg $0xC0  }
0xac: {  	_ =	task [dreg:s8], $0x5FFFF  }
0xad: {  	[dreg:$0x1] =	wrdreg $0xFFFFFFFF  }
0xae: {  	[dreg:$0x0] =	wrdreg $0x60  }
0xaf: {  	[dreg:$0x2] =	wrdreg s2  }
0xb0: {  	[dreg:$0x3] =	wrdreg s24  }
0xb1: {  	[dreg:$0x4] =	wrdreg s18  }
0xb2: {  	[dreg:$0x5] =	wrdreg $0x9  }
0xb3: {  	_ =	task.clear_ibuf [dreg:s8], $0x6FFFF;
	_ =	strace $0x90000046  }
0xb4: {  	s29 =	simm.s32 $0x9;
	_ =	strace $0x80000048  }
0xb5: {  	_ =	swait.ge [sflag:s29], $0x1  }
0xb6: {  	[sflag:s29] =	ssyncadd.s32 $0xFFFFFFFF  }
0xb7: {  	_ =	strace $0x90000048  }
0xb8: {  	_ =	sfence  }
0xb9: {  	s30 =	sld [smem:$0x0];
	_ =	sdelay $0x2  }
0xba: {  	s31 =	sshll.u32 s1, $0xD;
	s1 =	sshrl.u32 s1, $0x2  }
0xbb: {  	s3 =	sand.u32 $0x4000, s31;
	s1 =	sadd.s32 s1, s30  }
0xbc: {  	s0 =	sor.u32 s3, s0;
	s1 =	sshll.u32 s1, $0x11  }
0xbd: {  	s0 =	sor.u32 s1, s0  }
0xbe: {  	s0 =	sadd.s32 $0x8F2B, s0  }
0xbf: {  	[sflag:s0] =	ssyncadd.remote.s32 $0x1  }
0xc0: {  	_ =	sfence.sel $0xFFFF  }
0xc1: {  	[dreg:$0x0] =	wrdreg $0xFFFFFFFF;
	(pc) =	sbr.abs _section_cstart, $3  }
0xc2: {  	[dreg:$0x1] =	wrdreg $0xFFFFFFFF  }
0xc3: {  	_ =	task.clear_ibuf [dreg:s8], $0x2FFFF;
	_ =	strace $0x9FFFFFFF  }
0xc4: {  	(tm) =	ssettm $0x7FFFFFFF  }
0xc5: {  	_ =	shalt  }
tec
execute0_lowered:
.L_overlay_start_1:
0x0: {  	(tag) =	ssettag $0x1  }
0x1: {  	s1 =	rddreg [dreg:$0x0];
	s0 =	srdreg.scid  }
0x2: {  	s2 =	rddreg [dreg:$0x1];
	s10 =	stileid.u32  }
0x3: {  	s4 =	rddreg [dreg:$0x2];
	s23 =	simm.s32 $0x4000;
	s21 =	simm.s32 $0xC000  }
0x4: {  	s22 =	simm.s32 $0xC800;
	s28 =	simm.s32 $0xE800;
	s29 =	simm.s32 $0xF000  }
0x5: {  	s30 =	simm.s32 $0xF800;
	s31 =	simm.s32 $0x1;
	s14 =	simm.s32 $0x3  }
0x6: {  	s16 =	simm.s32 $0x4;
	s20 =	simm.s32 $0x8;
	s0 =	sand.u32 $0x1, s0  }
0x7: {  	s3 =	sshll.u32 s10, $0x8;
	s7 =	sadd.s32 $0x300, s1;
	s8 =	sadd.s32 $0x400, s1  }
0x8: {  	s9 =	sadd.s32 $0x500, s1;
	s25 =	sshll.u32 s10, $0x10;
	s10 =	sadd.s32 $0x600, s1  }
0x9: {  	s11 =	sadd.s32 $0x700, s1;
	s5 =	sshll.u32 s0, $0x7;
	s6 =	ssub.s32 $0x2, s0  }
0xa: {  	s0 =	sshll.u32 s0, $0xF;
	s5 =	sor.u32 s5, s3;
	s3 =	simm.s32 $0x0  }
0xb: {  	s24 =	sshrl.u32 s6, $0x1;
	s5 =	sshrl.u32 s5, $0x3;
	[smem:$0x7FF] =	sst s3  }
0xc: {  	s12 =	ssub.s32 s6, s24;
	s6 =	sadd.s32 $0x200, s1;
	s24 =	simm.s32 $0xD000  }
.Ltmp0:
0xd: {  	s2 =	sadd.s32 s5, s2;
	s26 =	smax.u32 s12, $0x1;
	(pc) =	sbr.rel .LBB2_1-.Ltmp0, $4  }
0xe: {  	_ =	strace $0x80000047;
	s2 =	sadd.s32 $0x400, s2;
	[dreg:$0x5] =	wrdreg s26  }
0xf: {  	v0 =	vlaneseq.u32;
	s5 =	sadd.s32 $0x100, s1;
	s26 =	simm.s32 $0xE000;
	[dreg:$0x4] =	wrdreg s2  }
0x10: {  	v1 =	vshrl.u32 v0, $0x3;
	s2 =	sadd.s32 s25, s4;
	s25 =	simm.s32 $0xD800;
	s4 =	simm.s32 $0x0  }
0x11: {  	vm0 =	vmmov $0xffff;
	v0 =	vand.u32 $0x7, v0;
	v1 =	vmul.u32 $0x8, v1;
	s13 =	sadd.s32 s0, s2;
	s2 =	simm.s32 $0x8000;
	s0 =	simm.s32 $0x2  }
.LBB2_4:
0x12: {  	s12 =	simm.s32 $0x5  }
0x13: {  	_ =	swait.ge [sflag:s12], $0x4000  }
0x14: {  	[sflag:s12] =	ssyncset.done $0x0  }
0x15: {  	s17 =	simm.s32 $0x6;
	[sflag:s12] =	ssyncadd.s32 $0xFFFFC000  }
0x16: {  	_ =	swait.ge [sflag:s17], $0x4000  }
0x17: {  	[sflag:s17] =	ssyncset.done $0x0  }
0x18: {  	s18 =	simm.s32 $0x7;
	[sflag:s17] =	ssyncadd.s32 $0xFFFFC000  }
0x19: {  	_ =	swait.ge [sflag:s18], $0x4000  }
0x1a: {  	[sflag:s18] =	ssyncset.done $0x0  }
0x1b: {  	[sflag:s18] =	ssyncadd.s32 $0xFFFFC000  }
0x1c: {  	_ =	swait.ge [sflag:s20], $0x4000  }
0x1d: {  	s4 =	sadd.s32 $0x1, s4;
	s19 =	rddreg [dreg:$0x5]  }
0x1e: {  	p0 =	sne.s32 s4, s19  }
.Ltmp1:
0x1f: {  	_ = 	snop;
	(pc) =	sbr.rel @!p0 .LBB2_5-.Ltmp1, $3  }
0x20: {  	_ =	sdelay $0x1  }
0x21: {  	[sflag:s20] =	ssyncset.done $0x0  }
0x22: {  	[sflag:s20] =	ssyncadd.s32 $0xFFFFC000  }
.LBB2_1:
0x23: {  	s12 =	rddreg [dreg:$0x4];
	s15 =	simm.s32 $0x10000;
	s18 =	simm.s32 $0x9  }
0x24: {  	[tilespmem:s15], [sflag:$0x9] =	stream.linear.gather [hbm4b:s12+s3], $0x80, $0x38;
	[tilespmem:$0x10080] =	vst v63  }
0x25: {  	_ =	swait.ge [sflag:s18], $0x80  }
0x26: {  	[sflag:s18] =	ssyncset.done $0x0  }
0x27: {  	[sflag:s18] =	ssyncadd.s32 $0xFFFFFF80  }
0x28: {  	v2 =	vld.msk [tilespmem:$0x10000], $0xff;
	_ =	sdelay $0x4  }
0x29: {  	v3 =	vshll.u32 v2, $0x4  }
0x2a: {  	v2 =	vand.u32 $0x7, v2;
	v3 =	vand.u32 $0xFFFFFF80, v3  }
0x2b: {  	v2 =	vor.u32 v2, v3  }
0x2c: {  	v2 =	vperm.xlane v2, v0;
	_ =	sdelay $0x1  }
0x2d: {  	v2 =	vadd.s32 v1, v2;
	_ =	sdelay $0x4  }
0x2e: {  	[tilespmem:s3], [sflag:$0x1] =	stream.indirect_vreg.gather [hbm4b:s1+s3], $0x80, v2, vm0, $0xb8;
	[tilespmem:$0x10080] =	vst v63  }
0x2f: {  	s19 =	simm.s32 $0x800  }
0x30: {  	[tilespmem:s19], [sflag:$0x1] =	stream.indirect_vreg.gather [hbm4b:s5+s3], $0x80, v2, vm0, $0xb8;
	[tilespmem:$0x10080] =	vst v63  }
0x31: {  	s15 =	simm.s32 $0x1000  }
0x32: {  	[tilespmem:s15], [sflag:$0x1] =	stream.indirect_vreg.gather [hbm4b:s6+s3], $0x80, v2, vm0, $0xb8;
	[tilespmem:$0x10080] =	vst v63  }
0x33: {  	s17 =	simm.s32 $0x1800  }
0x34: {  	[tilespmem:s17], [sflag:$0x1] =	stream.indirect_vreg.gather [hbm4b:s7+s3], $0x80, v2, vm0, $0xb8;
	[tilespmem:$0x10080] =	vst v63  }
0x35: {  	s18 =	simm.s32 $0x2000  }
0x36: {  	[tilespmem:s18], [sflag:$0x1] =	stream.indirect_vreg.gather [hbm4b:s8+s3], $0x80, v2, vm0, $0xb8;
	[tilespmem:$0x10080] =	vst v63  }
0x37: {  	s19 =	simm.s32 $0x2800  }
0x38: {  	[tilespmem:s19], [sflag:$0x1] =	stream.indirect_vreg.gather [hbm4b:s9+s3], $0x80, v2, vm0, $0xb8;
	[tilespmem:$0x10080] =	vst v63  }
0x39: {  	s15 =	simm.s32 $0x3000  }
0x3a: {  	[tilespmem:s15], [sflag:$0x1] =	stream.indirect_vreg.gather [hbm4b:s10+s3], $0x80, v2, vm0, $0xb8;
	[tilespmem:$0x10080] =	vst v63  }
0x3b: {  	s17 =	simm.s32 $0x3800  }
0x3c: {  	[tilespmem:s17], [sflag:$0x1] =	stream.indirect_vreg.gather [hbm4b:s11+s3], $0x80, v2, vm0, $0xb8;
	[tilespmem:$0x10080] =	vst v63  }
0x3d: {  	v2 =	vld.msk [tilespmem:$0x10008], $0xff;
	_ =	sdelay $0x4  }
0x3e: {  	v3 =	vshll.u32 v2, $0x4  }
0x3f: {  	v2 =	vand.u32 $0x7, v2;
	v3 =	vand.u32 $0xFFFFFF80, v3  }
0x40: {  	v2 =	vor.u32 v2, v3  }
0x41: {  	v2 =	vperm.xlane v2, v0;
	_ =	sdelay $0x1  }
0x42: {  	v2 =	vadd.s32 v1, v2;
	_ =	sdelay $0x4  }
0x43: {  	[tilespmem:s23], [sflag:$0x2] =	stream.indirect_vreg.gather [hbm4b:s1+s3], $0x80, v2, vm0, $0xb8;
	[tilespmem:$0x10080] =	vst v63  }
0x44: {  	s18 =	simm.s32 $0x4800  }
0x45: {  	[tilespmem:s18], [sflag:$0x2] =	stream.indirect_vreg.gather [hbm4b:s5+s3], $0x80, v2, vm0, $0xb8;
	[tilespmem:$0x10080] =	vst v63  }
0x46: {  	s19 =	simm.s32 $0x5000  }
0x47: {  	[tilespmem:s19], [sflag:$0x2] =	stream.indirect_vreg.gather [hbm4b:s6+s3], $0x80, v2, vm0, $0xb8;
	[tilespmem:$0x10080] =	vst v63  }
0x48: {  	s15 =	simm.s32 $0x5800  }
0x49: {  	[tilespmem:s15], [sflag:$0x2] =	stream.indirect_vreg.gather [hbm4b:s7+s3], $0x80, v2, vm0, $0xb8;
	[tilespmem:$0x10080] =	vst v63  }
0x4a: {  	s17 =	simm.s32 $0x6000  }
0x4b: {  	[tilespmem:s17], [sflag:$0x2] =	stream.indirect_vreg.gather [hbm4b:s8+s3], $0x80, v2, vm0, $0xb8;
	[tilespmem:$0x10080] =	vst v63  }
0x4c: {  	s18 =	simm.s32 $0x6800  }
0x4d: {  	[tilespmem:s18], [sflag:$0x2] =	stream.indirect_vreg.gather [hbm4b:s9+s3], $0x80, v2, vm0, $0xb8;
	[tilespmem:$0x10080] =	vst v63  }
0x4e: {  	s19 =	simm.s32 $0x7000  }
0x4f: {  	[tilespmem:s19], [sflag:$0x2] =	stream.indirect_vreg.gather [hbm4b:s10+s3], $0x80, v2, vm0, $0xb8;
	[tilespmem:$0x10080] =	vst v63  }
0x50: {  	s15 =	simm.s32 $0x7800  }
0x51: {  	[tilespmem:s15], [sflag:$0x2] =	stream.indirect_vreg.gather [hbm4b:s11+s3], $0x80, v2, vm0, $0xb8;
	[tilespmem:$0x10080] =	vst v63  }
0x52: {  	v2 =	vld.msk [tilespmem:$0x10010], $0xff;
	_ =	sdelay $0x4  }
0x53: {  	v3 =	vshll.u32 v2, $0x4  }
0x54: {  	v2 =	vand.u32 $0x7, v2;
	v3 =	vand.u32 $0xFFFFFF80, v3  }
0x55: {  	v2 =	vor.u32 v2, v3  }
0x56: {  	v2 =	vperm.xlane v2, v0;
	_ =	sdelay $0x1  }
0x57: {  	v2 =	vadd.s32 v1, v2;
	_ =	sdelay $0x4  }
0x58: {  	[tilespmem:s2], [sflag:$0x3] =	stream.indirect_vreg.gather [hbm4b:s1+s3], $0x80, v2, vm0, $0xb8;
	[tilespmem:$0x10080] =	vst v63  }
0x59: {  	s17 =	simm.s32 $0x8800  }
0x5a: {  	[tilespmem:s17], [sflag:$0x3] =	stream.indirect_vreg.gather [hbm4b:s5+s3], $0x80, v2, vm0, $0xb8;
	[tilespmem:$0x10080] =	vst v63  }
0x5b: {  	s18 =	simm.s32 $0x9000  }
0x5c: {  	[tilespmem:s18], [sflag:$0x3] =	stream.indirect_vreg.gather [hbm4b:s6+s3], $0x80, v2, vm0, $0xb8;
	[tilespmem:$0x10080] =	vst v63  }
0x5d: {  	s19 =	simm.s32 $0x9800  }
0x5e: {  	[tilespmem:s19], [sflag:$0x3] =	stream.indirect_vreg.gather [hbm4b:s7+s3], $0x80, v2, vm0, $0xb8;
	[tilespmem:$0x10080] =	vst v63  }
0x5f: {  	s15 =	simm.s32 $0xA000  }
0x60: {  	[tilespmem:s15], [sflag:$0x3] =	stream.indirect_vreg.gather [hbm4b:s8+s3], $0x80, v2, vm0, $0xb8;
	[tilespmem:$0x10080] =	vst v63  }
0x61: {  	s17 =	simm.s32 $0xA800  }
0x62: {  	[tilespmem:s17], [sflag:$0x3] =	stream.indirect_vreg.gather [hbm4b:s9+s3], $0x80, v2, vm0, $0xb8;
	[tilespmem:$0x10080] =	vst v63  }
0x63: {  	s18 =	simm.s32 $0xB000  }
0x64: {  	[tilespmem:s18], [sflag:$0x3] =	stream.indirect_vreg.gather [hbm4b:s10+s3], $0x80, v2, vm0, $0xb8;
	[tilespmem:$0x10080] =	vst v63  }
0x65: {  	s19 =	simm.s32 $0xB800  }
0x66: {  	[tilespmem:s19], [sflag:$0x3] =	stream.indirect_vreg.gather [hbm4b:s11+s3], $0x80, v2, vm0, $0xb8;
	[tilespmem:$0x10080] =	vst v63  }
0x67: {  	v2 =	vld.msk [tilespmem:$0x10018], $0xff;
	_ =	sdelay $0x4  }
0x68: {  	v3 =	vshll.u32 v2, $0x4  }
0x69: {  	v2 =	vand.u32 $0x7, v2;
	v3 =	vand.u32 $0xFFFFFF80, v3  }
0x6a: {  	v2 =	vor.u32 v2, v3  }
0x6b: {  	v2 =	vperm.xlane v2, v0;
	_ =	sdelay $0x1  }
0x6c: {  	v2 =	vadd.s32 v1, v2;
	_ =	sdelay $0x4  }
0x6d: {  	[tilespmem:s21], [sflag:$0x4] =	stream.indirect_vreg.gather [hbm4b:s1+s3], $0x80, v2, vm0, $0xb8;
	[tilespmem:$0x10080] =	vst v63  }
0x6e: {  	_ = 	snop  }
0x6f: {  	[tilespmem:s22], [sflag:$0x4] =	stream.indirect_vreg.gather [hbm4b:s5+s3], $0x80, v2, vm0, $0xb8;
	[tilespmem:$0x10080] =	vst v63  }
0x70: {  	_ = 	snop  }
0x71: {  	[tilespmem:s24], [sflag:$0x4] =	stream.indirect_vreg.gather [hbm4b:s6+s3], $0x80, v2, vm0, $0xb8;
	[tilespmem:$0x10080] =	vst v63  }
0x72: {  	_ = 	snop  }
0x73: {  	[tilespmem:s25], [sflag:$0x4] =	stream.indirect_vreg.gather [hbm4b:s7+s3], $0x80, v2, vm0, $0xb8;
	[tilespmem:$0x10080] =	vst v63  }
0x74: {  	_ = 	snop  }
0x75: {  	[tilespmem:s26], [sflag:$0x4] =	stream.indirect_vreg.gather [hbm4b:s8+s3], $0x80, v2, vm0, $0xb8;
	[tilespmem:$0x10080] =	vst v63  }
0x76: {  	_ = 	snop  }
0x77: {  	[tilespmem:s28], [sflag:$0x4] =	stream.indirect_vreg.gather [hbm4b:s9+s3], $0x80, v2, vm0, $0xb8;
	[tilespmem:$0x10080] =	vst v63  }
0x78: {  	_ = 	snop  }
0x79: {  	[tilespmem:s29], [sflag:$0x4] =	stream.indirect_vreg.gather [hbm4b:s10+s3], $0x80, v2, vm0, $0xb8;
	[tilespmem:$0x10080] =	vst v63  }
0x7a: {  	s12 =	simm.s32 $0x10038;
	s15 =	simm.s32 $0x0  }
0x7b: {  	[tilespmem:s30], [sflag:$0x4] =	stream.indirect_vreg.gather [hbm4b:s11+s3], $0x80, v2, vm0, $0xb8;
	[tilespmem:$0x10080] =	vst v63  }
.LBB2_2:
0x7c: {  	_ =	swait.ge [sflag:s31], $0x4000  }
0x7d: {  	p0 =	seq.s32 s15, $0x6000;
	[sflag:s31] =	ssyncset.done $0x0  }
0x7e: {  	s17 =	sadd.s32 s15, s13;
	s18 =	simm.s32 @!p0 $0x5;
	[sflag:s31] =	ssyncadd.s32 $0xFFFFC000  }
0x7f: {  	[hbm4b:s17+s3] =	stream.linear.scatter [tilespmem:s3], [sflag:$0x5], $0x4000, $0x38;
	[tilespmem:$0x10080] =	vst v63  }
0x80: {  	_ =	swait.ge @!p0 [sflag:s18], $0x4000  }
0x81: {  	[sflag:s18] =	ssyncset.done @!p0 $0x0  }
0x82: {  	[sflag:s18] =	ssyncadd.s32 @!p0 $0xFFFFC000  }
0x83: {  	v2 =	vld.msk @!p0 [tilespmem:s12+$0xFFFFFFE8], $0xff;
	_ =	sdelay $0x4  }
0x84: {  	v3 =	vshll.u32 @!p0 v2, $0x4  }
0x85: {  	v4 =	vlaneseq.u32 @!p0;
	v2 =	vand.u32 @!p0 $0x7, v2;
	v3 =	vand.u32 @!p0 $0xFFFFFF80, v3  }
0x86: {  	v2 =	vor.u32 @!p0 v2, v3;
	v3 =	vand.u32 @!p0 $0x7, v4;
	v4 =	vshrl.u32 @!p0 v4, $0x3  }
0x87: {  	v2 =	vperm.xlane @!p0 v2, v3;
	v4 =	vmul.u32 @!p0 $0x8, v4;
	_ =	sdelay $0x1  }
0x88: {  	v2 =	vadd.s32 @!p0 v4, v2;
	_ =	sdelay $0x3  }
0x89: {  	vm1 =	vmmov @!p0 $0xffff;
	s18 =	simm.s32 @!p0 $0x0  }
0x8a: {  	[tilespmem:s18], [sflag:$0x1] =	stream.indirect_vreg.gather @!p0 [hbm4b:s1+s18], $0x80, v2, vm1, $0xb8;
	[tilespmem:$0x10080] =	vst v63  }
0x8b: {  	s19 =	simm.s32 @!p0 $0x800  }
0x8c: {  	[tilespmem:s19], [sflag:$0x1] =	stream.indirect_vreg.gather @!p0 [hbm4b:s5+s18], $0x80, v2, vm1, $0xb8;
	[tilespmem:$0x10080] =	vst v63  }
0x8d: {  	s19 =	simm.s32 @!p0 $0x1000  }
0x8e: {  	[tilespmem:s19], [sflag:$0x1] =	stream.indirect_vreg.gather @!p0 [hbm4b:s6+s18], $0x80, v2, vm1, $0xb8;
	[tilespmem:$0x10080] =	vst v63  }
0x8f: {  	s19 =	simm.s32 @!p0 $0x1800  }
0x90: {  	[tilespmem:s19], [sflag:$0x1] =	stream.indirect_vreg.gather @!p0 [hbm4b:s7+s18], $0x80, v2, vm1, $0xb8;
	[tilespmem:$0x10080] =	vst v63  }
0x91: {  	s19 =	simm.s32 @!p0 $0x2000  }
0x92: {  	[tilespmem:s19], [sflag:$0x1] =	stream.indirect_vreg.gather @!p0 [hbm4b:s8+s18], $0x80, v2, vm1, $0xb8;
	[tilespmem:$0x10080] =	vst v63  }
0x93: {  	s19 =	simm.s32 @!p0 $0x2800  }
0x94: {  	[tilespmem:s19], [sflag:$0x1] =	stream.indirect_vreg.gather @!p0 [hbm4b:s9+s18], $0x80, v2, vm1, $0xb8;
	[tilespmem:$0x10080] =	vst v63  }
0x95: {  	s19 =	simm.s32 @!p0 $0x3000  }
0x96: {  	[tilespmem:s19], [sflag:$0x1] =	stream.indirect_vreg.gather @!p0 [hbm4b:s10+s18], $0x80, v2, vm1, $0xb8;
	[tilespmem:$0x10080] =	vst v63  }
0x97: {  	s19 =	simm.s32 @!p0 $0x3800  }
0x98: {  	[tilespmem:s19], [sflag:$0x1] =	stream.indirect_vreg.gather @!p0 [hbm4b:s11+s18], $0x80, v2, vm1, $0xb8;
	[tilespmem:$0x10080] =	vst v63  }
0x99: {  	_ =	swait.ge [sflag:s0], $0x4000  }
0x9a: {  	[sflag:s0] =	ssyncset.done $0x0  }
0x9b: {  	s19 =	sadd.s32 $0x800, s17;
	[sflag:s0] =	ssyncadd.s32 $0xFFFFC000  }
0x9c: {  	[hbm4b:s19+s3] =	stream.linear.scatter [tilespmem:s23], [sflag:$0x6], $0x4000, $0x38;
	[tilespmem:$0x10080] =	vst v63  }
0x9d: {  	s19 =	simm.s32 @!p0 $0x6  }
0x9e: {  	_ =	swait.ge @!p0 [sflag:s19], $0x4000  }
0x9f: {  	[sflag:s19] =	ssyncset.done @!p0 $0x0  }
0xa0: {  	[sflag:s19] =	ssyncadd.s32 @!p0 $0xFFFFC000  }
0xa1: {  	v2 =	vld.msk @!p0 [tilespmem:s12+$0xFFFFFFF0], $0xff;
	_ =	sdelay $0x4  }
0xa2: {  	v5 =	vshll.u32 @!p0 v2, $0x4  }
0xa3: {  	v2 =	vand.u32 @!p0 $0x7, v2;
	v5 =	vand.u32 @!p0 $0xFFFFFF80, v5  }
0xa4: {  	v2 =	vor.u32 @!p0 v2, v5  }
0xa5: {  	v2 =	vperm.xlane @!p0 v2, v3;
	_ =	sdelay $0x1  }
0xa6: {  	v2 =	vadd.s32 @!p0 v4, v2;
	_ =	sdelay $0x3  }
0xa7: {  	s19 =	simm.s32 @!p0 $0x4000  }
0xa8: {  	[tilespmem:s19], [sflag:$0x2] =	stream.indirect_vreg.gather @!p0 [hbm4b:s1+s18], $0x80, v2, vm1, $0xb8;
	[tilespmem:$0x10080] =	vst v63  }
0xa9: {  	s19 =	simm.s32 @!p0 $0x4800  }
0xaa: {  	[tilespmem:s19], [sflag:$0x2] =	stream.indirect_vreg.gather @!p0 [hbm4b:s5+s18], $0x80, v2, vm1, $0xb8;
	[tilespmem:$0x10080] =	vst v63  }
0xab: {  	s19 =	simm.s32 @!p0 $0x5000  }
0xac: {  	[tilespmem:s19], [sflag:$0x2] =	stream.indirect_vreg.gather @!p0 [hbm4b:s6+s18], $0x80, v2, vm1, $0xb8;
	[tilespmem:$0x10080] =	vst v63  }
0xad: {  	s19 =	simm.s32 @!p0 $0x5800  }
0xae: {  	[tilespmem:s19], [sflag:$0x2] =	stream.indirect_vreg.gather @!p0 [hbm4b:s7+s18], $0x80, v2, vm1, $0xb8;
	[tilespmem:$0x10080] =	vst v63  }
0xaf: {  	s19 =	simm.s32 @!p0 $0x6000  }
0xb0: {  	[tilespmem:s19], [sflag:$0x2] =	stream.indirect_vreg.gather @!p0 [hbm4b:s8+s18], $0x80, v2, vm1, $0xb8;
	[tilespmem:$0x10080] =	vst v63  }
0xb1: {  	s19 =	simm.s32 @!p0 $0x6800  }
0xb2: {  	[tilespmem:s19], [sflag:$0x2] =	stream.indirect_vreg.gather @!p0 [hbm4b:s9+s18], $0x80, v2, vm1, $0xb8;
	[tilespmem:$0x10080] =	vst v63  }
0xb3: {  	s19 =	simm.s32 @!p0 $0x7000  }
0xb4: {  	[tilespmem:s19], [sflag:$0x2] =	stream.indirect_vreg.gather @!p0 [hbm4b:s10+s18], $0x80, v2, vm1, $0xb8;
	[tilespmem:$0x10080] =	vst v63  }
0xb5: {  	s19 =	simm.s32 @!p0 $0x7800  }
0xb6: {  	[tilespmem:s19], [sflag:$0x2] =	stream.indirect_vreg.gather @!p0 [hbm4b:s11+s18], $0x80, v2, vm1, $0xb8;
	[tilespmem:$0x10080] =	vst v63  }
0xb7: {  	_ =	swait.ge [sflag:s14], $0x4000  }
0xb8: {  	[sflag:s14] =	ssyncset.done $0x0  }
0xb9: {  	s19 =	sadd.s32 $0x1000, s17;
	[sflag:s14] =	ssyncadd.s32 $0xFFFFC000  }
0xba: {  	[hbm4b:s19+s3] =	stream.linear.scatter [tilespmem:s2], [sflag:$0x7], $0x4000, $0x38;
	[tilespmem:$0x10080] =	vst v63  }
0xbb: {  	s19 =	simm.s32 @!p0 $0x7  }
0xbc: {  	_ =	swait.ge @!p0 [sflag:s19], $0x4000  }
0xbd: {  	[sflag:s19] =	ssyncset.done @!p0 $0x0  }
0xbe: {  	[sflag:s19] =	ssyncadd.s32 @!p0 $0xFFFFC000  }
0xbf: {  	v2 =	vld.msk @!p0 [tilespmem:s12+$0xFFFFFFF8], $0xff;
	_ =	sdelay $0x4  }
0xc0: {  	v5 =	vshll.u32 @!p0 v2, $0x4  }
0xc1: {  	v2 =	vand.u32 @!p0 $0x7, v2;
	v5 =	vand.u32 @!p0 $0xFFFFFF80, v5  }
0xc2: {  	v2 =	vor.u32 @!p0 v2, v5  }
0xc3: {  	v2 =	vperm.xlane @!p0 v2, v3;
	_ =	sdelay $0x1  }
0xc4: {  	v2 =	vadd.s32 @!p0 v4, v2;
	_ =	sdelay $0x3  }
0xc5: {  	s19 =	simm.s32 @!p0 $0x8000  }
0xc6: {  	[tilespmem:s19], [sflag:$0x3] =	stream.indirect_vreg.gather @!p0 [hbm4b:s1+s18], $0x80, v2, vm1, $0xb8;
	[tilespmem:$0x10080] =	vst v63  }
0xc7: {  	s19 =	simm.s32 @!p0 $0x8800  }
0xc8: {  	[tilespmem:s19], [sflag:$0x3] =	stream.indirect_vreg.gather @!p0 [hbm4b:s5+s18], $0x80, v2, vm1, $0xb8;
	[tilespmem:$0x10080] =	vst v63  }
0xc9: {  	s19 =	simm.s32 @!p0 $0x9000  }
0xca: {  	[tilespmem:s19], [sflag:$0x3] =	stream.indirect_vreg.gather @!p0 [hbm4b:s6+s18], $0x80, v2, vm1, $0xb8;
	[tilespmem:$0x10080] =	vst v63  }
0xcb: {  	s19 =	simm.s32 @!p0 $0x9800  }
0xcc: {  	[tilespmem:s19], [sflag:$0x3] =	stream.indirect_vreg.gather @!p0 [hbm4b:s7+s18], $0x80, v2, vm1, $0xb8;
	[tilespmem:$0x10080] =	vst v63  }
0xcd: {  	s19 =	simm.s32 @!p0 $0xA000  }
0xce: {  	[tilespmem:s19], [sflag:$0x3] =	stream.indirect_vreg.gather @!p0 [hbm4b:s8+s18], $0x80, v2, vm1, $0xb8;
	[tilespmem:$0x10080] =	vst v63  }
0xcf: {  	s19 =	simm.s32 @!p0 $0xA800  }
0xd0: {  	[tilespmem:s19], [sflag:$0x3] =	stream.indirect_vreg.gather @!p0 [hbm4b:s9+s18], $0x80, v2, vm1, $0xb8;
	[tilespmem:$0x10080] =	vst v63  }
0xd1: {  	s19 =	simm.s32 @!p0 $0xB000  }
0xd2: {  	[tilespmem:s19], [sflag:$0x3] =	stream.indirect_vreg.gather @!p0 [hbm4b:s10+s18], $0x80, v2, vm1, $0xb8;
	[tilespmem:$0x10080] =	vst v63  }
0xd3: {  	s19 =	simm.s32 @!p0 $0xB800  }
0xd4: {  	[tilespmem:s19], [sflag:$0x3] =	stream.indirect_vreg.gather @!p0 [hbm4b:s11+s18], $0x80, v2, vm1, $0xb8;
	[tilespmem:$0x10080] =	vst v63  }
.Ltmp2:
0xd5: {  	_ = 	snop;
	(pc) =	sbr.rel @p0 .LBB2_4-.Ltmp2, $4  }
0xd6: {  	_ =	swait.ge [sflag:s16], $0x4000  }
0xd7: {  	[sflag:s16] =	ssyncset.done $0x0  }
0xd8: {  	s17 =	sadd.s32 $0x1800, s17;
	[sflag:s16] =	ssyncadd.s32 $0xFFFFC000  }
0xd9: {  	[hbm4b:s17+s3] =	stream.linear.scatter [tilespmem:s21], [sflag:$0x8], $0x4000, $0x38;
	[tilespmem:$0x10080] =	vst v63  }
0xda: {  	_ =	swait.ge [sflag:s20], $0x4000  }
0xdb: {  	[sflag:s20] =	ssyncset.done $0x0  }
0xdc: {  	[sflag:s20] =	ssyncadd.s32 $0xFFFFC000  }
0xdd: {  	v2 =	vld.msk [tilespmem:s12+$0x0], $0xff;
	_ =	sdelay $0x4  }
0xde: {  	v3 =	vshll.u32 v2, $0x4  }
0xdf: {  	v2 =	vand.u32 $0x7, v2;
	v3 =	vand.u32 $0xFFFFFF80, v3  }
0xe0: {  	v2 =	vor.u32 v2, v3  }
0xe1: {  	v2 =	vperm.xlane v2, v0;
	_ =	sdelay $0x1  }
0xe2: {  	v2 =	vadd.s32 v1, v2;
	_ =	sdelay $0x4  }
0xe3: {  	[tilespmem:s21], [sflag:$0x4] =	stream.indirect_vreg.gather [hbm4b:s1+s3], $0x80, v2, vm0, $0xb8;
	[tilespmem:$0x10080] =	vst v63  }
0xe4: {  	_ = 	snop  }
0xe5: {  	[tilespmem:s22], [sflag:$0x4] =	stream.indirect_vreg.gather [hbm4b:s5+s3], $0x80, v2, vm0, $0xb8;
	[tilespmem:$0x10080] =	vst v63  }
0xe6: {  	_ = 	snop  }
0xe7: {  	[tilespmem:s24], [sflag:$0x4] =	stream.indirect_vreg.gather [hbm4b:s6+s3], $0x80, v2, vm0, $0xb8;
	[tilespmem:$0x10080] =	vst v63  }
0xe8: {  	_ = 	snop  }
0xe9: {  	[tilespmem:s25], [sflag:$0x4] =	stream.indirect_vreg.gather [hbm4b:s7+s3], $0x80, v2, vm0, $0xb8;
	[tilespmem:$0x10080] =	vst v63  }
0xea: {  	_ = 	snop  }
0xeb: {  	[tilespmem:s26], [sflag:$0x4] =	stream.indirect_vreg.gather [hbm4b:s8+s3], $0x80, v2, vm0, $0xb8;
	[tilespmem:$0x10080] =	vst v63  }
0xec: {  	_ = 	snop  }
0xed: {  	[tilespmem:s28], [sflag:$0x4] =	stream.indirect_vreg.gather [hbm4b:s9+s3], $0x80, v2, vm0, $0xb8;
	[tilespmem:$0x10080] =	vst v63  }
.Ltmp3:
0xee: {  	_ = 	snop;
	(pc) =	sbr.rel .LBB2_2-.Ltmp3, $4  }
0xef: {  	_ = 	snop  }
0xf0: {  	[tilespmem:s29], [sflag:$0x4] =	stream.indirect_vreg.gather [hbm4b:s10+s3], $0x80, v2, vm0, $0xb8;
	[tilespmem:$0x10080] =	vst v63  }
0xf1: {  	s15 =	sadd.s32 $0x2000, s15;
	s12 =	sadd.s32 $0x20, s12  }
0xf2: {  	[tilespmem:s30], [sflag:$0x4] =	stream.indirect_vreg.gather [hbm4b:s11+s3], $0x80, v2, vm0, $0xb8;
	[tilespmem:$0x10080] =	vst v63  }
.LBB2_5:
0xf3: {  	_ =	sfence.sel $0x180000  }
0xf4: {  	[bflag:$0x0] =	sbarrier.arrive $0xFFFF  }
0xf5: {  	_ =	strace $0x90000047  }
0xf6: {  	s0 =	stileid.u32;
	[bflag:$0x2] =	sbarrier.arrive $0xFFFF  }
0xf7: {  	p0 =	sne.s32 s0, $0x0;
	s0 =	rddreg [dreg:$0x3]  }
0xf8: {  	s0 =	sadd.s32 @!p0 $0x100000, s0  }
0xf9: {  	[sflag:s0] =	ssyncadd.tile.s32 @!p0 $0x1;
	_ =	shalt  }
.Lfunc_end2:
_tile_overlayer_lowered:
.L_overlay_start_2:
0xfa: {  	(tag) =	ssettag $0x2  }
0xfb: {  	s0 =	rddreg [dreg:$0x0];
	s2 =	stileid.u32  }
0xfc: {  	s1 =	rddreg [dreg:$0x1];
	p0 =	sne.s32 s2, $0x0  }
0xfd: {  	s3 =	rddreg [dreg:$0x2];
	[bflag:$0x3] =	sbarrier.arrive $0xFFFF;
	s2 =	simm.s32 @!p0 $0x1C09  }
0xfe: {  	[timem:s3], [sflag:s2] =	dma.local @!p0 [hbm:s0], s1  }
0xff: {  	s0 =	simm.s32 @!p0 $0x9  }
0x100: {  	_ =	swait.ge @!p0 [sflag:s0], s1  }
0x101: {  	s1 =	ssub.s32 @!p0 $0x0, s1;
	[sflag:s0] =	ssyncset.done @!p0 $0x0  }
0x102: {  	[sflag:s0] =	ssyncadd.s32 @!p0 s1  }
0x103: {  	[bflag:$0x3] =	sbarrier.arrive $0xFFFF  }
0x104: {  	_ =	shalt  }

</sc_bundles>
